<compile_context>
chip_gen: v7x
topology: tpu7x:2x2x1
jax: 0.10.2.dev20260603
libtpu: 0.0.44.dev20260713+nightly
codegen_flags: <defaults>
</compile_context>

<pallas_src>
import functools

import jax
import jax.numpy as jnp
from jax import lax
from jax.experimental import pallas as pl
from jax.experimental.pallas import tpu as pltpu
from jax.experimental.pallas import tpu_sc as plsc


def _make_lookup(B, V, D):
  info = plsc.get_sparse_core_info()
  NC, NS = info.num_cores, info.num_subcores
  N0 = 496
  N1 = B // NS - N0
  split = N0 * NS

  mesh = plsc.VectorSubcoreMesh(core_axis_name="c", subcore_axis_name="s")

  ROWS_PER_TILE = 64
  full_tiles = V // ROWS_PER_TILE
  tail_rows = V - full_tiles * ROWS_PER_TILE

  @functools.partial(
      pl.kernel,
      mesh=mesh,
      out_type=jax.ShapeDtypeStruct((B, D), jnp.float32),
      scratch_types=[
          pltpu.VMEM((max(N0, N1),), jnp.int32),
          pltpu.VMEM((max(N0, N1), D), jnp.float32),
          pltpu.VMEM_SHARED((V, D), jnp.float32),
          pltpu.SemaphoreType.DMA,
          pltpu.SemaphoreType.DMA,
      ],
  )
  def lookup(t_hbm, table_hbm, out_hbm, idx_v, rows_v, table_sp,
             g0s, isem):
    c = lax.axis_index("c")
    s = lax.axis_index("s")
    nmax = max(N0, N1)
    base = jnp.where(c == 0, s * N0, split + s * N1)

    ia = pltpu.async_copy(
        t_hbm.at[pl.ds(base, nmax)], idx_v.at[pl.ds(0, nmax)], isem)

    @pl.when(s < full_tiles)
    def _():
      r = s * ROWS_PER_TILE
      pltpu.sync_copy(table_hbm.at[pl.ds(r, ROWS_PER_TILE)],
                      table_sp.at[pl.ds(r, ROWS_PER_TILE)])

    if tail_rows:
      @pl.when(s == full_tiles)
      def _():
        r = full_tiles * ROWS_PER_TILE
        pltpu.sync_copy(table_hbm.at[pl.ds(r, tail_rows)],
                        table_sp.at[pl.ds(r, tail_rows)])

    plsc.subcore_barrier()
    ia.wait()

    def run(n):
      pltpu.async_copy(
          table_sp.at[idx_v.at[pl.ds(0, n)]],
          rows_v.at[pl.ds(0, n)], g0s).wait()
      pltpu.sync_copy(rows_v.at[pl.ds(0, n)], out_hbm.at[pl.ds(base, n)])

    @pl.when(c == 0)
    def _():
      run(N0)

    @pl.when(c == 1)
    def _():
      run(N1)

  return lookup


def kernel(t, table):
  B, = t.shape
  V, D = table.shape
  lookup = _make_lookup(B, V, D)
  return lookup(t.astype(jnp.int32), table)

# --- scband reference (transcript-rebuilt; emitter-appended) ---
"""Pipeline reference for scband-learned-embedding-20298015441250 (READ-ONLY COPY).

The authoritative reference and input builder live on the scoring server;
editing this copy changes nothing except your own understanding.
"""

import jax, jax.numpy as jnp
import numpy as np

NUM_TIMESTEPS = 1000
DIM = 128
BATCH = 16384

def setup_inputs(seed: int = 0) -> dict:
    key = jax.random.key(seed)
    k1, k2 = jax.random.split(key)
    t = jax.random.randint(k1, (BATCH,), 0, NUM_TIMESTEPS, dtype=jnp.int64 if jax.config.jax_enable_x64 else jnp.int32)
    # learned embedding table, init normal(0, 0.02) like the torch module
    table = jax.random.normal(k2, (NUM_TIMESTEPS, DIM), dtype=jnp.float32) * 0.02
    return {"t": t, "table": table}

def reference(t, table):
    # nn.Embedding lookup: gather rows of the table by timestep index
    return jnp.take(table, t, axis=0)

if __name__ == "__main__":
    import jax
    _d = setup_inputs()
    print(jax.jit(kernel)(*tuple(_d.values())))

</pallas_src>

<mosaic_0001>
#map = affine_map<(d0, d1) -> (0)>
#map1 = affine_map<(d0, d1) -> (0, 0)>
module attributes {stable_mosaic.version = 14 : i64} {
  func.func @lookup(%arg0: i32, %arg1: i32, %arg2: memref<16384xi32, #tpu.memory_space<hbm>>, %arg3: memref<1000x128xf32, #tpu.memory_space<hbm>>, %arg4: memref<16384x128xf32, #tpu.memory_space<hbm>>, %arg5: memref<528xi32, #tpu.memory_space<vmem>>, %arg6: memref<528x128xf32, #tpu.memory_space<vmem>>, %arg7: memref<1000x128xf32, #tpu.memory_space<vmem_shared>>, %arg8: memref<!tpu.dma_semaphore, #tpu.memory_space<semaphore_mem>>, %arg9: memref<!tpu.dma_semaphore, #tpu.memory_space<semaphore_mem>>) attributes {dimension_semantics = [#tpu.dimension_semantics<core_parallel>, #tpu.dimension_semantics<subcore_parallel>], iteration_bounds = array<i64: 2, 16>, scalar_prefetch = 0 : i64, scratch_operands = 5 : i64, tpu.core_type = #tpu.core_type<sc_vector_subcore>, window_params = [{transform_indices = #map}, {transform_indices = #map1}, {transform_indices = #map1}]} {
    %eq3A = arith.constant 0 : i32
    %eq3A_0 = arith.cmpi eq, %arg0, %eq3A : i32
    %mul3A = arith.constant 496 : i32
    %mul3A_1 = arith.muli %arg1, %mul3A : i32
    %mul3A_2 = arith.constant 528 : i32
    %mul3A_3 = arith.muli %arg1, %mul3A_2 : i32
    %add3A = arith.constant 7936 : i32
    %add3A_4 = arith.addi %add3A, %mul3A_3 : i32
    %select_n3A = arith.select %eq3A_0, %mul3A_1, %add3A_4 : i32
    %dma_start3A = arith.constant 0 : i32
    %dma_start3A_5 = tpu.memref_slice %arg5[%dma_start3A] : memref<528xi32, #tpu.memory_space<vmem>> -> memref<528xi32, #tpu.memory_space<vmem>>
    %dma_start3A_6 = tpu.memref_slice %arg2[%select_n3A] : memref<16384xi32, #tpu.memory_space<hbm>> -> memref<528xi32, #tpu.memory_space<hbm>>
    %dma_start3A_7 = arith.constant 0 : i32
    %dma_start3A_8 = tpu.memref_slice %arg5[%dma_start3A_7] : memref<528xi32, #tpu.memory_space<vmem>> -> memref<528xi32, #tpu.memory_space<vmem>>
    %dma_start3A_9 = tpu.memref_slice %arg2[%select_n3A] : memref<16384xi32, #tpu.memory_space<hbm>> -> memref<528xi32, #tpu.memory_space<hbm>>
    tpu.enqueue_dma source(%dma_start3A_9 : memref<528xi32, #tpu.memory_space<hbm>>) target(%dma_start3A_8 : memref<528xi32, #tpu.memory_space<vmem>>) target_semaphore(%arg9 : memref<!tpu.dma_semaphore, #tpu.memory_space<semaphore_mem>>)
    %lt3A = arith.constant 15 : i32
    %lt3A_10 = arith.cmpi slt, %arg1, %lt3A : i32
    %convert_element_type3A = arith.extui %lt3A_10 : i1 to i32
    %cond3A = arith.constant 0 : i32
    %cond3A_11 = arith.cmpi ne, %convert_element_type3A, %cond3A : i32
    scf.if %cond3A_11 {
      %mul3A_32 = arith.constant 64 : i32
      %mul3A_33 = arith.muli %arg1, %mul3A_32 : i32
      "tpu.region"() ({
        %run_scoped3A = tpu.sem_alloc : memref<!tpu.dma_semaphore, #tpu.memory_space<semaphore_mem>>
        %dma_start3A_34 = arith.constant 0 : i32
        %dma_start3A_35 = tpu.memref_slice %arg7[%mul3A_33, %dma_start3A_34] : memref<1000x128xf32, #tpu.memory_space<vmem_shared>> -> memref<64x128xf32, #tpu.memory_space<vmem_shared>>
        %dma_start3A_36 = arith.constant 0 : i32
        %dma_start3A_37 = tpu.memref_slice %arg3[%mul3A_33, %dma_start3A_36] : memref<1000x128xf32, #tpu.memory_space<hbm>> -> memref<64x128xf32, #tpu.memory_space<hbm>>
        tpu.enqueue_dma source(%dma_start3A_37 : memref<64x128xf32, #tpu.memory_space<hbm>>) target(%dma_start3A_35 : memref<64x128xf32, #tpu.memory_space<vmem_shared>>) target_semaphore(%run_scoped3A : memref<!tpu.dma_semaphore, #tpu.memory_space<semaphore_mem>>)
        %dma_wait3A_38 = arith.constant 0 : i32
        %dma_wait3A_39 = tpu.memref_slice %arg7[%mul3A_33, %dma_wait3A_38] : memref<1000x128xf32, #tpu.memory_space<vmem_shared>> -> memref<64x128xf32, #tpu.memory_space<vmem_shared>>
        %dma_wait3A_40 = arith.constant 0 : i32
        %dma_wait3A_41 = tpu.memref_slice %arg3[%mul3A_33, %dma_wait3A_40] : memref<1000x128xf32, #tpu.memory_space<hbm>> -> memref<64x128xf32, #tpu.memory_space<hbm>>
        tpu.wait_dma2 semaphore(%run_scoped3A : memref<!tpu.dma_semaphore, #tpu.memory_space<semaphore_mem>>) src(%dma_wait3A_41 : memref<64x128xf32, #tpu.memory_space<hbm>>) dst(%dma_wait3A_39 : memref<64x128xf32, #tpu.memory_space<vmem_shared>>)
        tpu.yield
      }) : () -> ()
    } else {
    }
    %eq3A_12 = arith.constant 15 : i32
    %eq3A_13 = arith.cmpi eq, %arg1, %eq3A_12 : i32
    %convert_element_type3A_14 = arith.extui %eq3A_13 : i1 to i32
    %cond3A_15 = arith.constant 0 : i32
    %cond3A_16 = arith.cmpi ne, %convert_element_type3A_14, %cond3A_15 : i32
    scf.if %cond3A_16 {
      "tpu.region"() ({
        %run_scoped3A = tpu.sem_alloc : memref<!tpu.dma_semaphore, #tpu.memory_space<semaphore_mem>>
        %dma_start3A_32 = arith.constant 960 : i32
        %dma_start3A_33 = arith.constant 0 : i32
        %dma_start3A_34 = tpu.memref_slice %arg7[%dma_start3A_32, %dma_start3A_33] : memref<1000x128xf32, #tpu.memory_space<vmem_shared>> -> memref<40x128xf32, #tpu.memory_space<vmem_shared>>
        %dma_start3A_35 = arith.constant 960 : i32
        %dma_start3A_36 = arith.constant 0 : i32
        %dma_start3A_37 = tpu.memref_slice %arg3[%dma_start3A_35, %dma_start3A_36] : memref<1000x128xf32, #tpu.memory_space<hbm>> -> memref<40x128xf32, #tpu.memory_space<hbm>>
        tpu.enqueue_dma source(%dma_start3A_37 : memref<40x128xf32, #tpu.memory_space<hbm>>) target(%dma_start3A_34 : memref<40x128xf32, #tpu.memory_space<vmem_shared>>) target_semaphore(%run_scoped3A : memref<!tpu.dma_semaphore, #tpu.memory_space<semaphore_mem>>)
        %dma_wait3A_38 = arith.constant 960 : i32
        %dma_wait3A_39 = arith.constant 0 : i32
        %dma_wait3A_40 = tpu.memref_slice %arg7[%dma_wait3A_38, %dma_wait3A_39] : memref<1000x128xf32, #tpu.memory_space<vmem_shared>> -> memref<40x128xf32, #tpu.memory_space<vmem_shared>>
        %dma_wait3A_41 = arith.constant 960 : i32
        %dma_wait3A_42 = arith.constant 0 : i32
        %dma_wait3A_43 = tpu.memref_slice %arg3[%dma_wait3A_41, %dma_wait3A_42] : memref<1000x128xf32, #tpu.memory_space<hbm>> -> memref<40x128xf32, #tpu.memory_space<hbm>>
        tpu.wait_dma2 semaphore(%run_scoped3A : memref<!tpu.dma_semaphore, #tpu.memory_space<semaphore_mem>>) src(%dma_wait3A_43 : memref<40x128xf32, #tpu.memory_space<hbm>>) dst(%dma_wait3A_40 : memref<40x128xf32, #tpu.memory_space<vmem_shared>>)
        tpu.yield
      }) : () -> ()
    } else {
    }
    %barrier3A = arith.constant 0 : index
    tpu.barrier barrier_id(%barrier3A)
    %dma_wait3A = arith.constant 0 : i32
    %dma_wait3A_17 = tpu.memref_slice %arg5[%dma_wait3A] : memref<528xi32, #tpu.memory_space<vmem>> -> memref<528xi32, #tpu.memory_space<vmem>>
    %dma_wait3A_18 = tpu.memref_slice %arg2[%select_n3A] : memref<16384xi32, #tpu.memory_space<hbm>> -> memref<528xi32, #tpu.memory_space<hbm>>
    %dma_wait3A_19 = arith.constant 0 : i32
    %dma_wait3A_20 = tpu.memref_slice %arg5[%dma_wait3A_19] : memref<528xi32, #tpu.memory_space<vmem>> -> memref<528xi32, #tpu.memory_space<vmem>>
    %dma_wait3A_21 = tpu.memref_slice %arg2[%select_n3A] : memref<16384xi32, #tpu.memory_space<hbm>> -> memref<528xi32, #tpu.memory_space<hbm>>
    tpu.wait_dma2 semaphore(%arg9 : memref<!tpu.dma_semaphore, #tpu.memory_space<semaphore_mem>>) src(%dma_wait3A_21 : memref<528xi32, #tpu.memory_space<hbm>>) dst(%dma_wait3A_20 : memref<528xi32, #tpu.memory_space<vmem>>)
    %eq3A_22 = arith.constant 0 : i32
    %eq3A_23 = arith.cmpi eq, %arg0, %eq3A_22 : i32
    %convert_element_type3A_24 = arith.extui %eq3A_23 : i1 to i32
    %cond3A_25 = arith.constant 0 : i32
    %cond3A_26 = arith.cmpi ne, %convert_element_type3A_24, %cond3A_25 : i32
    scf.if %cond3A_26 {
      %dma_start3A_32 = arith.constant 0 : i32
      %dma_start3A_33 = arith.constant 0 : i32
      %dma_start3A_34 = tpu.memref_slice %arg6[%dma_start3A_32, %dma_start3A_33] : memref<528x128xf32, #tpu.memory_space<vmem>> -> memref<496x128xf32, #tpu.memory_space<vmem>>
      %dma_start3A_35 = arith.constant 0 : i32
      %dma_start3A_36 = tpu.memref_slice %arg5[%dma_start3A_35] : memref<528xi32, #tpu.memory_space<vmem>> -> memref<496xi32, #tpu.memory_space<vmem>>
      %dma_start3A_37 = arith.constant 0 : i32
      %dma_start3A_38 = arith.constant 0 : i32
      %dma_start3A_39 = tpu.memref_slice %arg7[%dma_start3A_37, %dma_start3A_38] : memref<1000x128xf32, #tpu.memory_space<vmem_shared>> -> memref<1000x128xf32, #tpu.memory_space<vmem_shared>>
      tpu.enqueue_indirect_dma source(%dma_start3A_39 : memref<1000x128xf32, #tpu.memory_space<vmem_shared>>) target(%dma_start3A_34 : memref<496x128xf32, #tpu.memory_space<vmem>>) offsets(%dma_start3A_36 : memref<496xi32, #tpu.memory_space<vmem>>) semaphore(%arg8 : memref<!tpu.dma_semaphore, #tpu.memory_space<semaphore_mem>>)
      %dma_wait3A_40 = arith.constant 0 : i32
      %dma_wait3A_41 = arith.constant 0 : i32
      %dma_wait3A_42 = tpu.memref_slice %arg6[%dma_wait3A_40, %dma_wait3A_41] : memref<528x128xf32, #tpu.memory_space<vmem>> -> memref<496x128xf32, #tpu.memory_space<vmem>>
      %dma_wait3A_43 = arith.constant 0 : i32
      %dma_wait3A_44 = tpu.memref_slice %arg5[%dma_wait3A_43] : memref<528xi32, #tpu.memory_space<vmem>> -> memref<496xi32, #tpu.memory_space<vmem>>
      %dma_wait3A_45 = arith.constant 0 : i32
      %dma_wait3A_46 = arith.constant 0 : i32
      %dma_wait3A_47 = tpu.memref_slice %arg7[%dma_wait3A_45, %dma_wait3A_46] : memref<1000x128xf32, #tpu.memory_space<vmem_shared>> -> memref<1000x128xf32, #tpu.memory_space<vmem_shared>>
      tpu.wait_indirect_dma semaphore(%arg8 : memref<!tpu.dma_semaphore, #tpu.memory_space<semaphore_mem>>) src(%dma_wait3A_47 : memref<1000x128xf32, #tpu.memory_space<vmem_shared>>) dst(%dma_wait3A_42 : memref<496x128xf32, #tpu.memory_space<vmem>>)
      "tpu.region"() ({
        %run_scoped3A = tpu.sem_alloc : memref<!tpu.dma_semaphore, #tpu.memory_space<semaphore_mem>>
        %dma_start3A_48 = arith.constant 0 : i32
        %dma_start3A_49 = arith.constant 0 : i32
        %dma_start3A_50 = tpu.memref_slice %arg6[%dma_start3A_48, %dma_start3A_49] : memref<528x128xf32, #tpu.memory_space<vmem>> -> memref<496x128xf32, #tpu.memory_space<vmem>>
        %dma_start3A_51 = arith.constant 0 : i32
        %dma_start3A_52 = tpu.memref_slice %arg4[%select_n3A, %dma_start3A_51] : memref<16384x128xf32, #tpu.memory_space<hbm>> -> memref<496x128xf32, #tpu.memory_space<hbm>>
        %dma_start3A_53 = arith.constant 0 : i32
        %dma_start3A_54 = tpu.memref_slice %arg4[%select_n3A, %dma_start3A_53] : memref<16384x128xf32, #tpu.memory_space<hbm>> -> memref<496x128xf32, #tpu.memory_space<hbm>>
        %dma_start3A_55 = arith.constant 0 : i32
        %dma_start3A_56 = arith.constant 0 : i32
        %dma_start3A_57 = tpu.memref_slice %arg6[%dma_start3A_55, %dma_start3A_56] : memref<528x128xf32, #tpu.memory_space<vmem>> -> memref<496x128xf32, #tpu.memory_space<vmem>>
        tpu.enqueue_dma source(%dma_start3A_57 : memref<496x128xf32, #tpu.memory_space<vmem>>) target(%dma_start3A_54 : memref<496x128xf32, #tpu.memory_space<hbm>>) target_semaphore(%run_scoped3A : memref<!tpu.dma_semaphore, #tpu.memory_space<semaphore_mem>>)
        %dma_wait3A_58 = arith.constant 0 : i32
        %dma_wait3A_59 = arith.constant 0 : i32
        %dma_wait3A_60 = tpu.memref_slice %arg6[%dma_wait3A_58, %dma_wait3A_59] : memref<528x128xf32, #tpu.memory_space<vmem>> -> memref<496x128xf32, #tpu.memory_space<vmem>>
        %dma_wait3A_61 = arith.constant 0 : i32
        %dma_wait3A_62 = tpu.memref_slice %arg4[%select_n3A, %dma_wait3A_61] : memref<16384x128xf32, #tpu.memory_space<hbm>> -> memref<496x128xf32, #tpu.memory_space<hbm>>
        %dma_wait3A_63 = arith.constant 0 : i32
        %dma_wait3A_64 = tpu.memref_slice %arg4[%select_n3A, %dma_wait3A_63] : memref<16384x128xf32, #tpu.memory_space<hbm>> -> memref<496x128xf32, #tpu.memory_space<hbm>>
        %dma_wait3A_65 = arith.constant 0 : i32
        %dma_wait3A_66 = arith.constant 0 : i32
        %dma_wait3A_67 = tpu.memref_slice %arg6[%dma_wait3A_65, %dma_wait3A_66] : memref<528x128xf32, #tpu.memory_space<vmem>> -> memref<496x128xf32, #tpu.memory_space<vmem>>
        tpu.wait_dma2 semaphore(%run_scoped3A : memref<!tpu.dma_semaphore, #tpu.memory_space<semaphore_mem>>) src(%dma_wait3A_67 : memref<496x128xf32, #tpu.memory_space<vmem>>) dst(%dma_wait3A_64 : memref<496x128xf32, #tpu.memory_space<hbm>>)
        tpu.yield
      }) : () -> ()
    } else {
    }
    %eq3A_27 = arith.constant 1 : i32
    %eq3A_28 = arith.cmpi eq, %arg0, %eq3A_27 : i32
    %convert_element_type3A_29 = arith.extui %eq3A_28 : i1 to i32
    %cond3A_30 = arith.constant 0 : i32
    %cond3A_31 = arith.cmpi ne, %convert_element_type3A_29, %cond3A_30 : i32
    scf.if %cond3A_31 {
      %dma_start3A_32 = arith.constant 0 : i32
      %dma_start3A_33 = arith.constant 0 : i32
      %dma_start3A_34 = tpu.memref_slice %arg6[%dma_start3A_32, %dma_start3A_33] : memref<528x128xf32, #tpu.memory_space<vmem>> -> memref<528x128xf32, #tpu.memory_space<vmem>>
      %dma_start3A_35 = arith.constant 0 : i32
      %dma_start3A_36 = tpu.memref_slice %arg5[%dma_start3A_35] : memref<528xi32, #tpu.memory_space<vmem>> -> memref<528xi32, #tpu.memory_space<vmem>>
      %dma_start3A_37 = arith.constant 0 : i32
      %dma_start3A_38 = arith.constant 0 : i32
      %dma_start3A_39 = tpu.memref_slice %arg7[%dma_start3A_37, %dma_start3A_38] : memref<1000x128xf32, #tpu.memory_space<vmem_shared>> -> memref<1000x128xf32, #tpu.memory_space<vmem_shared>>
      tpu.enqueue_indirect_dma source(%dma_start3A_39 : memref<1000x128xf32, #tpu.memory_space<vmem_shared>>) target(%dma_start3A_34 : memref<528x128xf32, #tpu.memory_space<vmem>>) offsets(%dma_start3A_36 : memref<528xi32, #tpu.memory_space<vmem>>) semaphore(%arg8 : memref<!tpu.dma_semaphore, #tpu.memory_space<semaphore_mem>>)
      %dma_wait3A_40 = arith.constant 0 : i32
      %dma_wait3A_41 = arith.constant 0 : i32
      %dma_wait3A_42 = tpu.memref_slice %arg6[%dma_wait3A_40, %dma_wait3A_41] : memref<528x128xf32, #tpu.memory_space<vmem>> -> memref<528x128xf32, #tpu.memory_space<vmem>>
      %dma_wait3A_43 = arith.constant 0 : i32
      %dma_wait3A_44 = tpu.memref_slice %arg5[%dma_wait3A_43] : memref<528xi32, #tpu.memory_space<vmem>> -> memref<528xi32, #tpu.memory_space<vmem>>
      %dma_wait3A_45 = arith.constant 0 : i32
      %dma_wait3A_46 = arith.constant 0 : i32
      %dma_wait3A_47 = tpu.memref_slice %arg7[%dma_wait3A_45, %dma_wait3A_46] : memref<1000x128xf32, #tpu.memory_space<vmem_shared>> -> memref<1000x128xf32, #tpu.memory_space<vmem_shared>>
      tpu.wait_indirect_dma semaphore(%arg8 : memref<!tpu.dma_semaphore, #tpu.memory_space<semaphore_mem>>) src(%dma_wait3A_47 : memref<1000x128xf32, #tpu.memory_space<vmem_shared>>) dst(%dma_wait3A_42 : memref<528x128xf32, #tpu.memory_space<vmem>>)
      "tpu.region"() ({
        %run_scoped3A = tpu.sem_alloc : memref<!tpu.dma_semaphore, #tpu.memory_space<semaphore_mem>>
        %dma_start3A_48 = arith.constant 0 : i32
        %dma_start3A_49 = arith.constant 0 : i32
        %dma_start3A_50 = tpu.memref_slice %arg6[%dma_start3A_48, %dma_start3A_49] : memref<528x128xf32, #tpu.memory_space<vmem>> -> memref<528x128xf32, #tpu.memory_space<vmem>>
        %dma_start3A_51 = arith.constant 0 : i32
        %dma_start3A_52 = tpu.memref_slice %arg4[%select_n3A, %dma_start3A_51] : memref<16384x128xf32, #tpu.memory_space<hbm>> -> memref<528x128xf32, #tpu.memory_space<hbm>>
        %dma_start3A_53 = arith.constant 0 : i32
        %dma_start3A_54 = tpu.memref_slice %arg4[%select_n3A, %dma_start3A_53] : memref<16384x128xf32, #tpu.memory_space<hbm>> -> memref<528x128xf32, #tpu.memory_space<hbm>>
        %dma_start3A_55 = arith.constant 0 : i32
        %dma_start3A_56 = arith.constant 0 : i32
        %dma_start3A_57 = tpu.memref_slice %arg6[%dma_start3A_55, %dma_start3A_56] : memref<528x128xf32, #tpu.memory_space<vmem>> -> memref<528x128xf32, #tpu.memory_space<vmem>>
        tpu.enqueue_dma source(%dma_start3A_57 : memref<528x128xf32, #tpu.memory_space<vmem>>) target(%dma_start3A_54 : memref<528x128xf32, #tpu.memory_space<hbm>>) target_semaphore(%run_scoped3A : memref<!tpu.dma_semaphore, #tpu.memory_space<semaphore_mem>>)
        %dma_wait3A_58 = arith.constant 0 : i32
        %dma_wait3A_59 = arith.constant 0 : i32
        %dma_wait3A_60 = tpu.memref_slice %arg6[%dma_wait3A_58, %dma_wait3A_59] : memref<528x128xf32, #tpu.memory_space<vmem>> -> memref<528x128xf32, #tpu.memory_space<vmem>>
        %dma_wait3A_61 = arith.constant 0 : i32
        %dma_wait3A_62 = tpu.memref_slice %arg4[%select_n3A, %dma_wait3A_61] : memref<16384x128xf32, #tpu.memory_space<hbm>> -> memref<528x128xf32, #tpu.memory_space<hbm>>
        %dma_wait3A_63 = arith.constant 0 : i32
        %dma_wait3A_64 = tpu.memref_slice %arg4[%select_n3A, %dma_wait3A_63] : memref<16384x128xf32, #tpu.memory_space<hbm>> -> memref<528x128xf32, #tpu.memory_space<hbm>>
        %dma_wait3A_65 = arith.constant 0 : i32
        %dma_wait3A_66 = arith.constant 0 : i32
        %dma_wait3A_67 = tpu.memref_slice %arg6[%dma_wait3A_65, %dma_wait3A_66] : memref<528x128xf32, #tpu.memory_space<vmem>> -> memref<528x128xf32, #tpu.memory_space<vmem>>
        tpu.wait_dma2 semaphore(%run_scoped3A : memref<!tpu.dma_semaphore, #tpu.memory_space<semaphore_mem>>) src(%dma_wait3A_67 : memref<528x128xf32, #tpu.memory_space<vmem>>) dst(%dma_wait3A_64 : memref<528x128xf32, #tpu.memory_space<hbm>>)
        tpu.yield
      }) : () -> ()
    } else {
    }
    return
  }
}

</mosaic_0001>

<sc_bundles>
// kernel: kernel.3.cloned.1.call-start
scs
__scs_entry_jumppad:
0x0: {  	(pc) =	sbr.rel $0x88, $3  }
0x1: {  	(tag) =	ssettag $0x0;
	lr =	simm.s32 $0x1  }
0x2: {  	[smem:$0x3F9F] =	sst lr;
	_ =	strace $0xD0000000  }
0x3: {  	_ = 	snop  }
0x4: {  	_ = 	snop  }
0x5: {  	_ = 	snop  }
0x6: {  	_ = 	snop  }
0x7: {  	_ = 	snop  }
__scs_overlays_trampoline_lowered:
0x8: {  	[smem:$0x3FAE] =	sst s0  }
0x9: {  	[smem:$0x3FAF] =	sst s1  }
0xa: {  	[smem:$0x3FB0] =	sst s2  }
0xb: {  	[smem:$0x3FB1] =	sst s3  }
0xc: {  	[smem:$0x3FB2] =	sst s4  }
0xd: {  	[smem:$0x3FB3] =	sst s5  }
0xe: {  	[smem:$0x3FB4] =	sst s6  }
0xf: {  	[smem:$0x3FB5] =	sst s7  }
0x10: {  	[smem:$0x3FB6] =	sst s8  }
0x11: {  	[smem:$0x3FB7] =	sst s9;
	s0 =	simm.s32 @!p0 $0x0  }
0x12: {  	s1 =	sld [smem:$0x3F9D];
	s0 =	simm.s32 @p0 $0x1  }
0x13: {  	[smem:$0x3FB8] =	sst s0;
	s0 =	simm.s32 @!p1 $0x0  }
0x14: {  	s2 =	sld [smem:$0x3F9C];
	s0 =	simm.s32 @p1 $0x1  }
0x15: {  	[smem:$0x3FB9] =	sst s0;
	s0 =	simm.s32 @!p2 $0x0  }
0x16: {  	s3 =	sld [smem:$0x3FDB];
	s0 =	simm.s32 @p2 $0x1  }
0x17: {  	s4 =	simm.s32 $0x1BF5;
	[smem:$0x3FBB] =	sst s0  }
0x18: {  	s0 =	sld [smem:$0x3F9E];
	_ =	swait.ge [sflag:s4], $0x0  }
0x19: {  	s7 =	sld [smem:$0x3F9F]  }
0x1a: {  	s8 =	sadd.s32 $0xFFFFE003, lr  }
0x1b: {  	s9 =	sadd.s32 $0xFFFFFEF7, lr;
	s5 =	simm.s32 $0xFFFFFFFF;
	p2 =	slt.u32 s8, $0xFFFFF086  }
0x1c: {  	p1 =	slt.u32 s9, $0xF7A;
	s5 =	simm.s32 @!p2 $0x0  }
0x1d: {  	s5 =	simm.s32 @p1 $0x1;
	p0 =	seq.s32 s7, s2  }
0x1e: {  	s7 =	smul.u32 @!p0 $0xF7A, s2;
	p2 =	seq.s32 @!p0 s5, $0x0  }
0x1f: {  	s9 =	smul.u32 $0xF7A, s1;
	s8 =	simm.s32 @!p0 $0x1BF5;
	p2 =	por !p2, p0  }
0x20: {  	[sflag:s8] =	ssyncset.s32 @!p0 $0xFFFFF086;
	s6 =	sadd.s32 @!p0 s3, s7;
	s7 =	simm.s32 @!p0 $0x108  }
0x21: {  	s3 =	sadd.s32 s3, s9;
	s6 =	sadd.s32 @!p0 $0x88, s6;
	s7 =	simm.s32 @p2 $0x1082  }
0x22: {  	[simem:s7], [sflag:s8] =	dma.local @!p0 [hbm:s6], $0xF7A  }
0x23: {  	s9 =	sor.u32 $0xD0000000, s2;
	s6 =	simm.s32 $0x108;
	_ =	swait.ge @!p0 [sflag:s8], $0x0  }
0x24: {  	s3 =	sadd.s32 $0x88, s3;
	s6 =	simm.s32 @!p1 $0x1082;
	[sflag:s4] =	ssyncset.s32 $0xFFFFF086  }
0x25: {  	[simem:s6], [sflag:s4] =	dma.local [hbm:s3], $0xF7A  }
0x26: {  	[smem:$0x3F9F] =	sst s1;
	(tag) =	ssettag s2;
	_ =	strace s9  }
0x27: {  	s1 =	sld [smem:$0x3FAF]  }
0x28: {  	s2 =	sld [smem:$0x3FB0]  }
0x29: {  	s4 =	sld [smem:$0x3FB2]  }
0x2a: {  	p0 =	seq.s32 s5, $0x0;
	s5 =	sld [smem:$0x3FB3]  }
0x2b: {  	s6 =	sld [smem:$0x3FB4]  }
0x2c: {  	s7 =	sld [smem:$0x3FB5]  }
0x2d: {  	s3 =	simm.s32 $0x108;
	s8 =	sld [smem:$0x3FB6]  }
0x2e: {  	s3 =	simm.s32 @!p0 $0x1082;
	s9 =	sld [smem:$0x3FB7]  }
0x2f: {  	lr =	sadd.s32 s0, s3;
	s0 =	sld [smem:$0x3FAE]  }
0x30: {  	s3 =	sld [smem:$0x3FB1]  }
0x31: {  	[smem:$0x3FBA] =	sst s10  }
0x32: {  	s10 =	sld [smem:$0x3FB8];
	_ =	sdelay $0x3  }
0x33: {  	p0 =	seq.s32 s10, $0x1;
	s10 =	sld [smem:$0x3FBA];
	_ =	sdelay $0x3  }
0x34: {  	[smem:$0x3FBA] =	sst s10  }
0x35: {  	s10 =	sld [smem:$0x3FB9];
	_ =	sdelay $0x3  }
0x36: {  	p1 =	seq.s32 s10, $0x1;
	s10 =	sld [smem:$0x3FBA];
	_ =	sdelay $0x3  }
0x37: {  	[smem:$0x3FBA] =	sst s10  }
0x38: {  	s10 =	sld [smem:$0x3FBB]  }
0x39: {  	_ = 	snop;
	(pc) =	sbr.ind lr, $3  }
0x3a: {  	_ = 	snop  }
0x3b: {  	_ = 	snop  }
0x3c: {  	p2 =	seq.s32 s10, $0x1;
	s10 =	sld [smem:$0x3FBA]  }
0x3d: {  	_ =	shalt  }
0x3e: {  	_ =	shalt  }
0x3f: {  	_ =	shalt  }
0x40: {  	_ =	shalt  }
0x41: {  	_ =	shalt  }
0x42: {  	_ =	shalt  }
0x43: {  	_ =	shalt  }
0x44: {  	_ =	shalt  }
0x45: {  	_ =	shalt  }
0x46: {  	_ =	shalt  }
0x47: {  	_ =	shalt  }
0x48: {  	_ =	shalt  }
0x49: {  	_ =	shalt  }
0x4a: {  	_ =	shalt  }
0x4b: {  	_ =	shalt  }
0x4c: {  	_ =	shalt  }
0x4d: {  	_ =	shalt  }
0x4e: {  	_ =	shalt  }
0x4f: {  	_ =	shalt  }
0x50: {  	_ =	shalt  }
0x51: {  	_ =	shalt  }
0x52: {  	_ =	shalt  }
0x53: {  	_ =	shalt  }
0x54: {  	_ =	shalt  }
0x55: {  	_ =	shalt  }
0x56: {  	_ =	shalt  }
0x57: {  	_ =	shalt  }
0x58: {  	_ =	shalt  }
0x59: {  	_ =	shalt  }
0x5a: {  	_ =	shalt  }
0x5b: {  	_ =	shalt  }
0x5c: {  	_ =	shalt  }
0x5d: {  	_ =	shalt  }
0x5e: {  	_ =	shalt  }
0x5f: {  	_ =	shalt  }
0x60: {  	_ =	shalt  }
0x61: {  	_ =	shalt  }
0x62: {  	_ =	shalt  }
0x63: {  	_ =	shalt  }
0x64: {  	_ =	shalt  }
0x65: {  	_ =	shalt  }
0x66: {  	_ =	shalt  }
0x67: {  	_ =	shalt  }
0x68: {  	_ =	shalt  }
0x69: {  	_ =	shalt  }
0x6a: {  	_ =	shalt  }
0x6b: {  	_ =	shalt  }
0x6c: {  	_ =	shalt  }
0x6d: {  	_ =	shalt  }
0x6e: {  	_ =	shalt  }
0x6f: {  	_ =	shalt  }
0x70: {  	_ =	shalt  }
0x71: {  	_ =	shalt  }
0x72: {  	_ =	shalt  }
0x73: {  	_ =	shalt  }
0x74: {  	_ =	shalt  }
0x75: {  	_ =	shalt  }
0x76: {  	_ =	shalt  }
0x77: {  	_ =	shalt  }
0x78: {  	_ =	shalt  }
0x79: {  	_ =	shalt  }
0x7a: {  	_ =	shalt  }
0x7b: {  	_ =	shalt  }
0x7c: {  	_ =	shalt  }
0x7d: {  	_ =	shalt  }
0x7e: {  	_ =	shalt  }
0x7f: {  	_ =	shalt  }
0x80: {  	_ =	shalt  }
0x81: {  	_ =	shalt  }
0x82: {  	_ =	shalt  }
0x83: {  	_ =	shalt  }
0x84: {  	_ =	shalt  }
0x85: {  	_ =	shalt  }
0x86: {  	_ =	shalt  }
0x87: {  	_ =	shalt  }
.Lfunc_end0:
.L_simem_size_0:
called_computation_lowered:
.L_overlay_start_0:
0x88: {  	s2 =	sld [smem:$0x3FD9]  }
0x89: {  	s3 =	sld [smem:$0x3FFE];
	_ =	sdelay $0x1  }
0x8a: {  	s1 =	srdreg.scid  }
0x8b: {  	s0 =	sand.u32 $0x1, s1  }
0x8c: {  	s18 =	sshll.u32 s0, $0xA;
	s2 =	sadd.s32 s3, s2  }
0x8d: {  	s2 =	sadd.s32 s2, s18  }
0x8e: {  	[smem:$0x3FC6] =	sst s2  }
0x8f: {  	_ = 	snop  }
0x90: {  	s2 =	sld [smem:$0x3FC9]  }
0x91: {  	s19 =	sld [smem:$0x3FC8]  }
0x92: {  	s4 =	sld [smem:$0x3FD0];
	(tm) =	ssettm $0x1  }
0x93: {  	s5 =	sld [smem:$0x3FFB];
	_ =	sdelay $0x3  }
0x94: {  	_ =	strace s5  }
0x95: {  	s5 =	sld [smem:$0x3FFC];
	_ =	sdelay $0x3  }
0x96: {  	_ =	strace s5  }
0x97: {  	s5 =	sld [smem:$0x3FFD];
	_ =	sdelay $0x3  }
0x98: {  	_ =	strace s5  }
0x99: {  	_ =	strace $0x8FFFFFFF  }
0x9a: {  	s20 =	sld [smem:$0x3FDB];
	_ =	sdelay $0x1  }
0x9b: {  	s6 =	simm.s32 $_scs_section_size  }
0x9c: {  	s7 =	simm.s32 $_size__tile_overlayer_lowered;
	s8 =	simm.s32 $_tile_overlayer_lowered  }
0x9d: {  	s23 =	simm.s32 $0x1BFF;
	s22 =	sshll.u32 s8, $0x1;
	s5 =	sadd.s32 s6, s20  }
0x9e: {  	s9 =	simm.s32 $0x0;
	s21 =	sshll.u32 s7, $0x1;
	s7 =	sadd.s32 s22, s5  }
0x9f: {  	[timem:s9], [sflag:s23] =	dma.local [hbm:s7], s21  }
0xa0: {  	_ =	swait.ge [sflag:s23], s21  }
0xa1: {  	s6 =	ssub.s32 $0x0, s21;
	[sflag:s23] =	ssyncset.done $0x0  }
0xa2: {  	[sflag:s23] =	ssyncadd.s32 s6;
	_ =	sdelay $0x1  }
0xa3: {  	s24 =	simm.s32 $0x1B8B  }
0xa4: {  	_ =	swait.ge [sflag:s24], $0x1  }
0xa5: {  	[sflag:s24] =	ssyncset.done $0x0  }
0xa6: {  	s25 =	simm.s32 $0x1B8E;
	[sflag:s24] =	ssyncadd.s32 $0xFFFFFFFF  }
0xa7: {  	s26 =	simm.s32 $execute0_lowered;
	[smem:$0x3FD2] =	sst s25  }
0xa8: {  	s6 =	sshll.u32 s26, $0x1;
	_ =	strace $0x80000046;
	[dreg:$0x1] =	wrdreg $0xFFFFFFFF  }
0xa9: {  	s28 =	simm.s32 $_size_execute0_lowered;
	s5 =	sadd.s32 s5, s6;
	[dreg:$0x0] =	wrdreg $0x0  }
0xaa: {  	s6 =	sshll.u32 s28, $0x1;
	[dreg:$0x2] =	wrdreg s5  }
0xab: {  	[dreg:$0x3] =	wrdreg s6  }
0xac: {  	[dreg:$0x4] =	wrdreg $0xC0  }
0xad: {  	_ =	task [dreg:s9], $0x5FFFF  }
0xae: {  	[dreg:$0x1] =	wrdreg $0xFFFFFFFF  }
0xaf: {  	[dreg:$0x0] =	wrdreg $0x60  }
0xb0: {  	[dreg:$0x2] =	wrdreg s2  }
0xb1: {  	[dreg:$0x3] =	wrdreg s19  }
0xb2: {  	[dreg:$0x4] =	wrdreg s4  }
0xb3: {  	[dreg:$0x5] =	wrdreg $0x10A800  }
0xb4: {  	[dreg:$0x6] =	wrdreg $0x9  }
0xb5: {  	_ =	task.clear_ibuf [dreg:s9], $0x7FFFF;
	_ =	strace $0x90000046  }
0xb6: {  	s29 =	simm.s32 $0x9;
	_ =	strace $0x80000048  }
0xb7: {  	_ =	swait.ge [sflag:s29], $0x1  }
0xb8: {  	[sflag:s29] =	ssyncadd.s32 $0xFFFFFFFF  }
0xb9: {  	_ =	strace $0x90000048  }
0xba: {  	_ =	sfence  }
0xbb: {  	s30 =	sld [smem:$0x0];
	_ =	sdelay $0x2  }
0xbc: {  	s31 =	sshll.u32 s1, $0xD;
	s1 =	sshrl.u32 s1, $0x2  }
0xbd: {  	s3 =	sand.u32 $0x4000, s31;
	s1 =	sadd.s32 s1, s30  }
0xbe: {  	s0 =	sor.u32 s3, s0;
	s1 =	sshll.u32 s1, $0x11  }
0xbf: {  	s0 =	sor.u32 s1, s0  }
0xc0: {  	s0 =	sadd.s32 $0x8F2B, s0  }
0xc1: {  	[sflag:s0] =	ssyncadd.remote.s32 $0x1  }
0xc2: {  	_ =	sfence.sel $0xFFFF  }
0xc3: {  	[dreg:$0x0] =	wrdreg $0xFFFFFFFF;
	(pc) =	sbr.abs _section_cstart, $3  }
0xc4: {  	[dreg:$0x1] =	wrdreg $0xFFFFFFFF  }
0xc5: {  	_ =	task.clear_ibuf [dreg:s9], $0x2FFFF;
	_ =	strace $0x9FFFFFFF  }
0xc6: {  	(tm) =	ssettm $0x7FFFFFFF  }
0xc7: {  	_ =	shalt  }
tec
execute0_lowered:
.L_overlay_start_1:
0x0: {  	(tag) =	ssettag $0x1  }
0x1: {  	s4 =	rddreg [dreg:$0x0]  }
0x2: {  	s0 =	stileid.u32;
	s9 =	rddreg [dreg:$0x1]  }
0x3: {  	s24 =	rddreg [dreg:$0x2];
	s2 =	srdreg.scid;
	s3 =	simm.s32 $0x0  }
0x4: {  	s1 =	smul.u32 $0x210, s0;
	s20 =	sand.u32 $0x1, s2;
	s2 =	rddreg [dreg:$0x3]  }
0x5: {  	s5 =	smul.u32 $0x1F0, s0;
	[smem:$0x7FF] =	sst s3;
	s31 =	sshll.u32 s0, $0xD  }
0x6: {  	s10 =	sshll.u32 s0, $0xA;
	p0 =	seq.s32 s20, $0x0;
	s6 =	sadd.s32 $0x1F00, s1  }
0x7: {  	s1 =	rddreg [dreg:$0x4];
	s18 =	sshll.u32 s6, $0x4;
	s6 =	smov.u32 @p0 s5  }
0x8: {  	_ =	strace $0x80000047;
	p0 =	seq.s32 s0, $0xF;
	s5 =	sshrl.u32 s6, $0x3  }
0x9: {  	s6 =	sadd.s32 $0x1E000, s2;
	s7 =	simm.s32 @p0 $0x1FC3;
	s8 =	simm.s32 @p0 $0x3  }
0xa: {  	s4 =	sadd.s32 s4, s5;
	s5 =	sadd.s32 $0x3C00, s9;
	s6 =	sshrl.u32 @p0 s6, $0x3  }
0xb: {  	[tilespmem:s3], [sflag:$0x2] =	stream.linear.gather [hbm4b:s4+s3], $0x210, $0x38;
	[tilespmem:$0x129C0] =	vst v63  }
0xc: {  	[spmem:s6], [sflag:s7] =	dma.local @p0 [hbm:s5], $0x280  }
0xd: {  	s11 =	sadd.s32 s31, s2;
	s12 =	sshll.u32 @!p0 s0, $0x6;
	_ =	swait.ge @p0 [sflag:s8], $0x280  }
0xe: {  	s11 =	sshrl.u32 @!p0 s11, $0x3;
	s9 =	sadd.s32 s9, s10;
	[sflag:s8] =	ssyncset.done @p0 $0x0  }
0xf: {  	s10 =	sor.u32 @!p0 $0x1C03, s12;
	s12 =	simm.s32 @!p0 $0x3;
	[sflag:s8] =	ssyncadd.s32 @p0 $0xFFFFFD80  }
0x10: {  	[spmem:s11], [sflag:s10] =	dma.local @!p0 [hbm:s9], $0x400  }
0x11: {  	_ =	swait.ge @!p0 [sflag:s12], $0x400  }
0x12: {  	[sflag:s12] =	ssyncset.done @!p0 $0x0  }
0x13: {  	[sflag:s12] =	ssyncadd.s32 @!p0 $0xFFFFFC00  }
0x14: {  	s13 =	simm.s32 $0x2;
	[bflag:$0x0] =	sbarrier.arrive $0xFFFF  }
0x15: {  	p1 =	sne.s32 s20, $0x0;
	_ =	swait.ge [sflag:s13], $0x210  }
0x16: {  	s14 =	simm.s32 @p1 $0x280;
	s15 =	simm.s32 @p1 $0x1;
	[sflag:s13] =	ssyncset.done $0x0  }
0x17: {  	s16 =	simm.s32 @p1 $0x210;
	s17 =	simm.s32 @p1 $0x0;
	[sflag:s13] =	ssyncadd.s32 $0xFFFFFDF0  }
0x18: {  	[tilespmem:s14], [sflag:$0x1] =	stream.indirect.gather @p1 [spmem:s2], $0x80, s17, s16, $0xb8;
	[tilespmem:$0x129C0] =	vst v63  }
0x19: {  	s25 =	ssub.s32 $0x2, s20;
	_ =	swait.ge @p1 [sflag:s15], $0x10800  }
0x1a: {  	s19 =	simm.s32 @p1 $0x3;
	s20 =	simm.s32 @!p1 $0x280;
	[sflag:s15] =	ssyncset.done @p1 $0x0  }
0x1b: {  	s26 =	sshrl.u32 s25, $0x1;
	s18 =	sadd.s32 s24, s18;
	[sflag:s15] =	ssyncadd.s32 @p1 $0xFFFEF800  }
0x1c: {  	[hbm4b:s18+s17] =	stream.linear.scatter @p1 [tilespmem:s14], [sflag:$0x3], $0x10800, $0x38;
	[tilespmem:$0x129C0] =	vst v63  }
0x1d: {  	s21 =	simm.s32 @!p1 $0x1;
	s25 =	ssub.s32 s25, s26;
	_ =	swait.ge @p1 [sflag:s19], $0x10800  }
0x1e: {  	s22 =	simm.s32 @!p1 $0x1F0;
	s25 =	smax.u32 s25, $0x1;
	[sflag:s19] =	ssyncset.done @p1 $0x0  }
0x1f: {  	s23 =	simm.s32 @!p1 $0x0;
	s26 =	sadd.s32 $0xFFFFFFFF, s25;
	[sflag:s19] =	ssyncadd.s32 @p1 $0xFFFEF800  }
0x20: {  	[tilespmem:s20], [sflag:$0x1] =	stream.indirect.gather @!p1 [spmem:s2], $0x80, s23, s22, $0xb8;
	[tilespmem:$0x129C0] =	vst v63  }
0x21: {  	s28 =	smul.u32 $0x1F00, s0;
	p2 =	sne.s32 s26, $0x0;
	_ =	swait.ge @!p1 [sflag:s21], $0xF800  }
.Ltmp0:
0x22: {  	[sflag:s21] =	ssyncset.done @!p1 $0x0;
	(pc) =	sbr.rel @!p2 .LBB2_2-.Ltmp0, $4  }
0x23: {  	s24 =	sadd.s32 s24, s28;
	s25 =	simm.s32 @!p1 $0x3;
	[sflag:s21] =	ssyncadd.s32 @!p1 $0xFFFF0800  }
0x24: {  	[hbm4b:s24+s23] =	stream.linear.scatter @!p1 [tilespmem:s20], [sflag:$0x3], $0xF800, $0x38;
	[tilespmem:$0x129C0] =	vst v63  }
0x25: {  	_ =	swait.ge @!p1 [sflag:s25], $0xF800  }
0x26: {  	[sflag:s25] =	ssyncset.done @!p1 $0x0  }
.LBB2_1:
0x27: {  	[sflag:s25] =	ssyncadd.s32 @!p1 $0xFFFF0800  }
0x28: {  	[tilespmem:s3], [sflag:$0x2] =	stream.linear.gather [hbm4b:s4+s3], $0x210, $0x38;
	[tilespmem:$0x129C0] =	vst v63  }
0x29: {  	[spmem:s6], [sflag:s7] =	dma.local @p0 [hbm:s5], $0x280  }
0x2a: {  	s26 =	sadd.s32 $0xFFFFFFFF, s26;
	_ =	swait.ge @p0 [sflag:s8], $0x280  }
0x2b: {  	p2 =	sne.s32 s26, $0x0;
	[sflag:s8] =	ssyncset.done @p0 $0x0  }
0x2c: {  	[sflag:s8] =	ssyncadd.s32 @p0 $0xFFFFFD80  }
0x2d: {  	[spmem:s11], [sflag:s10] =	dma.local @!p0 [hbm:s9], $0x400  }
0x2e: {  	_ =	swait.ge @!p0 [sflag:s12], $0x400  }
0x2f: {  	[sflag:s12] =	ssyncset.done @!p0 $0x0  }
0x30: {  	[sflag:s12] =	ssyncadd.s32 @!p0 $0xFFFFFC00  }
0x31: {  	[bflag:$0x0] =	sbarrier.arrive $0xFFFF  }
0x32: {  	_ =	swait.ge [sflag:s13], $0x210  }
0x33: {  	[sflag:s13] =	ssyncset.done $0x0  }
0x34: {  	[sflag:s13] =	ssyncadd.s32 $0xFFFFFDF0  }
0x35: {  	[tilespmem:s14], [sflag:$0x1] =	stream.indirect.gather @p1 [spmem:s2], $0x80, s17, s16, $0xb8;
	[tilespmem:$0x129C0] =	vst v63  }
0x36: {  	_ =	swait.ge @p1 [sflag:s15], $0x10800  }
0x37: {  	[sflag:s15] =	ssyncset.done @p1 $0x0  }
0x38: {  	[sflag:s15] =	ssyncadd.s32 @p1 $0xFFFEF800  }
0x39: {  	[hbm4b:s18+s17] =	stream.linear.scatter @p1 [tilespmem:s14], [sflag:$0x3], $0x10800, $0x38;
	[tilespmem:$0x129C0] =	vst v63  }
0x3a: {  	_ =	swait.ge @p1 [sflag:s19], $0x10800  }
0x3b: {  	[sflag:s19] =	ssyncset.done @p1 $0x0  }
0x3c: {  	[sflag:s19] =	ssyncadd.s32 @p1 $0xFFFEF800  }
0x3d: {  	[tilespmem:s20], [sflag:$0x1] =	stream.indirect.gather @!p1 [spmem:s2], $0x80, s23, s22, $0xb8;
	[tilespmem:$0x129C0] =	vst v63  }
0x3e: {  	_ =	swait.ge @!p1 [sflag:s21], $0xF800  }
.Ltmp1:
0x3f: {  	[sflag:s21] =	ssyncset.done @!p1 $0x0;
	(pc) =	sbr.rel @p2 .LBB2_1-.Ltmp1, $4  }
0x40: {  	[sflag:s21] =	ssyncadd.s32 @!p1 $0xFFFF0800  }
0x41: {  	[hbm4b:s24+s23] =	stream.linear.scatter @!p1 [tilespmem:s20], [sflag:$0x3], $0xF800, $0x38;
	[tilespmem:$0x129C0] =	vst v63  }
0x42: {  	_ =	swait.ge @!p1 [sflag:s25], $0xF800  }
0x43: {  	[sflag:s25] =	ssyncset.done @!p1 $0x0  }
.LBB2_2:
0x44: {  	[sflag:s25] =	ssyncadd.s32 @!p1 $0xFFFF0800  }
0x45: {  	_ =	sfence.sel $0x180000  }
0x46: {  	[bflag:$0x0] =	sbarrier.arrive $0xFFFF  }
0x47: {  	p0 =	sne.s32 s0, $0x0;
	_ =	strace $0x90000047  }
0x48: {  	s0 =	sadd.s32 @!p0 $0x100000, s1;
	[bflag:$0x2] =	sbarrier.arrive $0xFFFF  }
0x49: {  	[sflag:s0] =	ssyncadd.tile.s32 @!p0 $0x1;
	_ =	shalt  }
.Lfunc_end2:
_tile_overlayer_lowered:
.L_overlay_start_2:
0x4a: {  	(tag) =	ssettag $0x2  }
0x4b: {  	s0 =	rddreg [dreg:$0x0];
	s2 =	stileid.u32  }
0x4c: {  	s1 =	rddreg [dreg:$0x1];
	p0 =	sne.s32 s2, $0x0  }
0x4d: {  	s3 =	rddreg [dreg:$0x2];
	[bflag:$0x3] =	sbarrier.arrive $0xFFFF;
	s2 =	simm.s32 @!p0 $0x1C03  }
0x4e: {  	[timem:s3], [sflag:s2] =	dma.local @!p0 [hbm:s0], s1  }
0x4f: {  	s0 =	simm.s32 @!p0 $0x3  }
0x50: {  	_ =	swait.ge @!p0 [sflag:s0], s1  }
0x51: {  	s1 =	ssub.s32 @!p0 $0x0, s1;
	[sflag:s0] =	ssyncset.done @!p0 $0x0  }
0x52: {  	[sflag:s0] =	ssyncadd.s32 @!p0 s1  }
0x53: {  	[bflag:$0x3] =	sbarrier.arrive $0xFFFF  }
0x54: {  	_ =	shalt  }

</sc_bundles>
